<compile_context>
chip_gen: v7x
topology: tpu7x:2x2x1
jax: 0.10.2.dev20260603
libtpu: 0.0.44.dev20260713+nightly
codegen_flags: <defaults>
</compile_context>

<pallas_src>
import jax
import jax.numpy as jnp
from jax.experimental import pallas as pl

N_TOK = 18432
K_CODES = 8192
DIM = 64
BN = 256


def _argmin_body(zsq_ref, z_ref, cbt_ref, csq_ref, idx_ref):
    mm = jax.lax.dot_general(
        z_ref[...], cbt_ref[...], (((1,), (0,)), ((), ())),
        preferred_element_type=jnp.float32)
    d2 = (zsq_ref[...] + csq_ref[...]) - 2.0 * mm
    d = jnp.maximum(d2, 0.0)
    s = jnp.where(d == 0.0, 0.0, d * jax.lax.rsqrt(d))
    mv = jnp.min(s, axis=1, keepdims=True)
    iota = jax.lax.broadcasted_iota(jnp.int32, s.shape, 1)
    idx_ref[...] = jnp.min(jnp.where(s == mv, iota, K_CODES), axis=1)


def _row_sumsq(x):
    q = x * x
    cs = []
    for s in range(8):
        acc = q[:, s]
        for k in range(1, 8):
            acc = q[:, 8 * k + s] + acc
        cs.append(acc)
    t = [cs[0] + cs[4], cs[1] + cs[5], cs[2] + cs[6], cs[3] + cs[7]]
    u0 = t[0] + t[2]
    u1 = t[1] + t[3]
    return u1 + u0


def _nearest_code(z, codebook):
    z_sq = _row_sumsq(z)[:, None]
    c_sq = _row_sumsq(codebook)[None, :]
    cb_t = codebook.T
    return pl.pallas_call(
        _argmin_body,
        grid=(N_TOK // BN,),
        in_specs=[
            pl.BlockSpec((BN, 1), lambda i: (i, 0)),
            pl.BlockSpec((BN, DIM), lambda i: (i, 0)),
            pl.BlockSpec((DIM, K_CODES), lambda i: (0, 0)),
            pl.BlockSpec((1, K_CODES), lambda i: (0, 0)),
        ],
        out_specs=pl.BlockSpec((BN,), lambda i: (i,)),
        out_shape=jax.ShapeDtypeStruct((N_TOK,), jnp.int32),
    )(z_sq, z, cb_t, c_sq)


def kernel(z, codebook):
    indices = _nearest_code(z, codebook)
    z_q = jnp.take(codebook, indices, axis=0)
    commitment_loss = jnp.mean((z_q - z) ** 2) * 0.25
    z_q_st = z + (z_q - z)
    residual = z - z_q_st
    counts = jnp.bincount(indices, length=K_CODES).astype(jnp.float32)
    avg_probs = counts / jnp.sum(counts)
    perplexity = jnp.exp(-jnp.sum(avg_probs * jnp.log(avg_probs + 1e-10)))
    return (z_q_st, residual, indices, commitment_loss, perplexity)

# --- scband reference (transcript-rebuilt; emitter-appended) ---
"""Pipeline reference for scband-vector-quantizer-13967233646719 (READ-ONLY COPY).

The authoritative reference and input builder live on the scoring server;
editing this copy changes nothing except your own understanding.
"""

import jax, jax.numpy as jnp
import numpy as np

NUM_CODES = 8192
EMBED_DIM = 64
N_TOKENS = 18432
COMMITMENT_COST = 0.25


def setup_inputs(seed: int = 0) -> dict:
    key = jax.random.key(seed)
    k1, k2 = jax.random.split(key)
    z = jax.random.normal(k1, (N_TOKENS, EMBED_DIM), dtype=jnp.float32)
    # codebook initialized uniform(-1/num_codes, 1/num_codes) as in the torch module
    codebook = jax.random.uniform(k2, (NUM_CODES, EMBED_DIM), minval=-1.0 / NUM_CODES, maxval=1.0 / NUM_CODES, dtype=jnp.float32)
    return {"z": z, "codebook": codebook}


def reference(z, codebook):
    # torch.cdist(z, codebook) -> euclidean distances [N, K]
    z_sq = jnp.sum(z * z, axis=-1, keepdims=True)            # [N, 1]
    c_sq = jnp.sum(codebook * codebook, axis=-1)             # [K]
    d2 = z_sq + c_sq[None, :] - 2.0 * (z @ codebook.T)       # [N, K]
    distances = jnp.sqrt(jnp.maximum(d2, 0.0))
    indices = jnp.argmin(distances, axis=-1)                 # [N]
    z_q = jnp.take(codebook, indices, axis=0)                # embedding lookup
    commitment_loss = jnp.mean((jax.lax.stop_gradient(z_q) - z) ** 2) * COMMITMENT_COST
    # straight-through estimator
    z_q_st = z + jax.lax.stop_gradient(z_q - z)
    residual = z - jax.lax.stop_gradient(z_q_st)
    counts = jnp.bincount(indices, length=NUM_CODES).astype(jnp.float32)
    avg_probs = counts / jnp.sum(counts)
    perplexity = jnp.exp(-jnp.sum(avg_probs * jnp.log(avg_probs + 1e-10)))
    return (z_q_st, residual, indices, commitment_loss, perplexity)

if __name__ == "__main__":
    import jax
    _d = setup_inputs()
    print(jax.jit(kernel)(*tuple(_d.values())))

</pallas_src>

<mosaic_0001>
module attributes {stable_mosaic.version = 14 : i64} {
  func.func @_argmin_body(%arg0: i32, %arg1: memref<256x1xf32, #tpu.memory_space<vmem>>, %arg2: memref<256x64xf32, #tpu.memory_space<vmem>>, %arg3: memref<64x8192xf32, #tpu.memory_space<vmem>>, %arg4: memref<1x8192xf32, #tpu.memory_space<vmem>>, %arg5: memref<256xi32, #tpu.memory_space<vmem>>) attributes {dimension_semantics = [#tpu.dimension_semantics<arbitrary>], iteration_bounds = array<i64: 72>, scalar_prefetch = 0 : i64, scratch_operands = 0 : i64, tpu.core_type = #tpu.core_type<tc>, window_params = [{transform_indices = @transform_0, window_bounds = array<i64: 256, 1>}, {transform_indices = @transform_1, window_bounds = array<i64: 256, 64>}, {pipeline_mode = #tpu.pipeline_mode<synchronous>, transform_indices = @transform_2, window_bounds = array<i64: 64, 8192>}, {pipeline_mode = #tpu.pipeline_mode<synchronous>, transform_indices = @transform_3, window_bounds = array<i64: 1, 8192>}, {transform_indices = @transform_4, window_bounds = array<i64: 256>}]} {
    %get3A = arith.constant 0 : index
    %get3A_0 = arith.constant 0 : index
    %get3A_1 = vector.load %arg2[%get3A, %get3A_0] : memref<256x64xf32, #tpu.memory_space<vmem>>, vector<256x64xf32>
    %get3A_2 = arith.constant 0 : index
    %get3A_3 = arith.constant 0 : index
    %get3A_4 = vector.load %arg3[%get3A_2, %get3A_3] : memref<64x8192xf32, #tpu.memory_space<vmem>>, vector<64x8192xf32>
    %dot_general3A = arith.constant dense<0.000000e+00> : vector<256x8192xf32>
    %dot_general3A_5 = tpu.matmul %get3A_1, %get3A_4, %dot_general3A {dimension_numbers = #tpu.dot_dimension_numbers<[1], [0], [0], [1], [0, 0, 1, 1], [], []>, transpose_lhs_hint = false} : vector<256x64xf32>, vector<64x8192xf32>, vector<256x8192xf32> -> vector<256x8192xf32>
    %get3A_6 = arith.constant 0 : index
    %get3A_7 = arith.constant 0 : index
    %get3A_8 = vector.load %arg1[%get3A_6, %get3A_7] : memref<256x1xf32, #tpu.memory_space<vmem>>, vector<256x1xf32>
    %get3A_9 = arith.constant 0 : index
    %get3A_10 = arith.constant 0 : index
    %get3A_11 = vector.load %arg4[%get3A_9, %get3A_10] : memref<1x8192xf32, #tpu.memory_space<vmem>>, vector<1x8192xf32>
    %add3A = vector.broadcast %get3A_8 : vector<256x1xf32> to vector<256x8192xf32>
    %add3A_12 = vector.broadcast %get3A_11 : vector<1x8192xf32> to vector<256x8192xf32>
    %add3A_13 = arith.addf %add3A, %add3A_12 : vector<256x8192xf32>
    %mul3A = arith.constant 2.000000e+00 : f32
    %mul3A_14 = vector.broadcast %mul3A : f32 to vector<256x8192xf32>
    %mul3A_15 = arith.mulf %mul3A_14, %dot_general3A_5 : vector<256x8192xf32>
    %sub3A = arith.subf %add3A_13, %mul3A_15 : vector<256x8192xf32>
    %max3A = arith.constant 0.000000e+00 : f32
    %max3A_16 = vector.broadcast %max3A : f32 to vector<256x8192xf32>
    %max3A_17 = arith.maximumf %sub3A, %max3A_16 : vector<256x8192xf32>
    %eq3A = arith.constant 0.000000e+00 : f32
    %eq3A_18 = vector.broadcast %eq3A : f32 to vector<256x8192xf32>
    %eq3A_19 = arith.cmpf oeq, %max3A_17, %eq3A_18 : vector<256x8192xf32>
    %rsqrt3A = math.rsqrt %max3A_17 : vector<256x8192xf32>
    %mul3A_20 = arith.mulf %max3A_17, %rsqrt3A : vector<256x8192xf32>
    %jit3A = arith.constant 0.000000e+00 : f32
    %broadcast_in_dim3A = vector.broadcast %jit3A : f32 to vector<256x8192xf32>
    %select_n3A = arith.select %eq3A_19, %broadcast_in_dim3A, %mul3A_20 : vector<256x8192xi1>, vector<256x8192xf32>
    %reduce_min3A = arith.constant dense<0x7F800000> : vector<256xf32>
    %reduce_min3A_21 = vector.multi_reduction <minimumf>, %select_n3A, %reduce_min3A [1] : vector<256x8192xf32> to vector<256xf32>
    %broadcast_in_dim3A_22 = vector.shape_cast %reduce_min3A_21 : vector<256xf32> to vector<256x1xf32>
    %iota3A = tpu.iota {dimensions = array<i32: 1>} : vector<256x8192xi32>
    %eq3A_23 = vector.broadcast %broadcast_in_dim3A_22 : vector<256x1xf32> to vector<256x8192xf32>
    %eq3A_24 = arith.cmpf oeq, %select_n3A, %eq3A_23 : vector<256x8192xf32>
    %jit3A_25 = arith.constant 8192 : i32
    %broadcast_in_dim3A_26 = vector.broadcast %jit3A_25 : i32 to vector<256x8192xi32>
    %select_n3A_27 = arith.select %eq3A_24, %iota3A, %broadcast_in_dim3A_26 : vector<256x8192xi1>, vector<256x8192xi32>
    %reduce_min3A_28 = arith.constant dense<2147483647> : vector<256xi32>
    %reduce_min3A_29 = vector.multi_reduction <minsi>, %select_n3A_27, %reduce_min3A_28 [1] : vector<256x8192xi32> to vector<256xi32>
    %swap3A = arith.constant 0 : index
    %swap3A_30 = vector.load %arg5[%swap3A] : memref<256xi32, #tpu.memory_space<vmem>>, vector<256xi32>
    tpu.vector_store %arg5[%swap3A], %reduce_min3A_29 {strides = array<i32>} : memref<256xi32, #tpu.memory_space<vmem>>, vector<256xi32>,
    return
  }
  func.func @transform_0(%arg0: i32) -> (i32, i32) {
    %c0_i32 = arith.constant 0 : i32
    %c0_i32_0 = arith.constant 0 : i32
    return %arg0, %c0_i32 : i32, i32
  }
  func.func @transform_1(%arg0: i32) -> (i32, i32) {
    %c0_i32 = arith.constant 0 : i32
    %c0_i32_0 = arith.constant 0 : i32
    return %arg0, %c0_i32 : i32, i32
  }
  func.func @transform_2(%arg0: i32) -> (i32, i32) {
    %c0_i32 = arith.constant 0 : i32
    %c0_i32_0 = arith.constant 0 : i32
    %c0_i32_1 = arith.constant 0 : i32
    return %c0_i32, %c0_i32_0 : i32, i32
  }
  func.func @transform_3(%arg0: i32) -> (i32, i32) {
    %c0_i32 = arith.constant 0 : i32
    %c0_i32_0 = arith.constant 0 : i32
    %c0_i32_1 = arith.constant 0 : i32
    return %c0_i32, %c0_i32_0 : i32, i32
  }
  func.func @transform_4(%arg0: i32) -> i32 {
    %c0_i32 = arith.constant 0 : i32
    return %arg0 : i32
  }
}

</mosaic_0001>

<sc_bundles>
// kernel: scatter_offload_async_start
scs
__scs_entry_jumppad:
0x0: {  	(pc) =	sbr.rel $0x88, $3  }
0x1: {  	(tag) =	ssettag $0x0;
	lr =	simm.s32 $0x1  }
0x2: {  	[smem:$0x3F9F] =	sst lr;
	_ =	strace $0xD0000000  }
0x3: {  	_ = 	snop  }
0x4: {  	_ = 	snop  }
0x5: {  	_ = 	snop  }
0x6: {  	_ = 	snop  }
0x7: {  	_ = 	snop  }
__scs_overlays_trampoline_lowered:
0x8: {  	[smem:$0x3FAE] =	sst s0  }
0x9: {  	[smem:$0x3FAF] =	sst s1  }
0xa: {  	[smem:$0x3FB0] =	sst s2  }
0xb: {  	[smem:$0x3FB1] =	sst s3  }
0xc: {  	[smem:$0x3FB2] =	sst s4  }
0xd: {  	[smem:$0x3FB3] =	sst s5  }
0xe: {  	[smem:$0x3FB4] =	sst s6  }
0xf: {  	[smem:$0x3FB5] =	sst s7  }
0x10: {  	[smem:$0x3FB6] =	sst s8  }
0x11: {  	[smem:$0x3FB7] =	sst s9;
	s0 =	simm.s32 @!p0 $0x0  }
0x12: {  	s1 =	sld [smem:$0x3F9D];
	s0 =	simm.s32 @p0 $0x1  }
0x13: {  	[smem:$0x3FB8] =	sst s0;
	s0 =	simm.s32 @!p1 $0x0  }
0x14: {  	s2 =	sld [smem:$0x3F9C];
	s0 =	simm.s32 @p1 $0x1  }
0x15: {  	[smem:$0x3FB9] =	sst s0;
	s0 =	simm.s32 @!p2 $0x0  }
0x16: {  	s3 =	sld [smem:$0x3FDB];
	s0 =	simm.s32 @p2 $0x1  }
0x17: {  	s4 =	simm.s32 $0x1BF5;
	[smem:$0x3FBB] =	sst s0  }
0x18: {  	s0 =	sld [smem:$0x3F9E];
	_ =	swait.ge [sflag:s4], $0x0  }
0x19: {  	s7 =	sld [smem:$0x3F9F]  }
0x1a: {  	s8 =	sadd.s32 $0xFFFFE003, lr  }
0x1b: {  	s9 =	sadd.s32 $0xFFFFFEF7, lr;
	s5 =	simm.s32 $0xFFFFFFFF;
	p2 =	slt.u32 s8, $0xFFFFF086  }
0x1c: {  	p1 =	slt.u32 s9, $0xF7A;
	s5 =	simm.s32 @!p2 $0x0  }
0x1d: {  	s5 =	simm.s32 @p1 $0x1;
	p0 =	seq.s32 s7, s2  }
0x1e: {  	s7 =	smul.u32 @!p0 $0xF7A, s2;
	p2 =	seq.s32 @!p0 s5, $0x0  }
0x1f: {  	s9 =	smul.u32 $0xF7A, s1;
	s8 =	simm.s32 @!p0 $0x1BF5;
	p2 =	por !p2, p0  }
0x20: {  	[sflag:s8] =	ssyncset.s32 @!p0 $0xFFFFF086;
	s6 =	sadd.s32 @!p0 s3, s7;
	s7 =	simm.s32 @!p0 $0x108  }
0x21: {  	s3 =	sadd.s32 s3, s9;
	s6 =	sadd.s32 @!p0 $0x88, s6;
	s7 =	simm.s32 @p2 $0x1082  }
0x22: {  	[simem:s7], [sflag:s8] =	dma.local @!p0 [hbm:s6], $0xF7A  }
0x23: {  	s9 =	sor.u32 $0xD0000000, s2;
	s6 =	simm.s32 $0x108;
	_ =	swait.ge @!p0 [sflag:s8], $0x0  }
0x24: {  	s3 =	sadd.s32 $0x88, s3;
	s6 =	simm.s32 @!p1 $0x1082;
	[sflag:s4] =	ssyncset.s32 $0xFFFFF086  }
0x25: {  	[simem:s6], [sflag:s4] =	dma.local [hbm:s3], $0xF7A  }
0x26: {  	[smem:$0x3F9F] =	sst s1;
	(tag) =	ssettag s2;
	_ =	strace s9  }
0x27: {  	s1 =	sld [smem:$0x3FAF]  }
0x28: {  	s2 =	sld [smem:$0x3FB0]  }
0x29: {  	s4 =	sld [smem:$0x3FB2]  }
0x2a: {  	p0 =	seq.s32 s5, $0x0;
	s5 =	sld [smem:$0x3FB3]  }
0x2b: {  	s6 =	sld [smem:$0x3FB4]  }
0x2c: {  	s7 =	sld [smem:$0x3FB5]  }
0x2d: {  	s3 =	simm.s32 $0x108;
	s8 =	sld [smem:$0x3FB6]  }
0x2e: {  	s3 =	simm.s32 @!p0 $0x1082;
	s9 =	sld [smem:$0x3FB7]  }
0x2f: {  	lr =	sadd.s32 s0, s3;
	s0 =	sld [smem:$0x3FAE]  }
0x30: {  	s3 =	sld [smem:$0x3FB1]  }
0x31: {  	[smem:$0x3FBA] =	sst s10  }
0x32: {  	s10 =	sld [smem:$0x3FB8];
	_ =	sdelay $0x3  }
0x33: {  	p0 =	seq.s32 s10, $0x1;
	s10 =	sld [smem:$0x3FBA];
	_ =	sdelay $0x3  }
0x34: {  	[smem:$0x3FBA] =	sst s10  }
0x35: {  	s10 =	sld [smem:$0x3FB9];
	_ =	sdelay $0x3  }
0x36: {  	p1 =	seq.s32 s10, $0x1;
	s10 =	sld [smem:$0x3FBA];
	_ =	sdelay $0x3  }
0x37: {  	[smem:$0x3FBA] =	sst s10  }
0x38: {  	s10 =	sld [smem:$0x3FBB]  }
0x39: {  	_ = 	snop;
	(pc) =	sbr.ind lr, $3  }
0x3a: {  	_ = 	snop  }
0x3b: {  	_ = 	snop  }
0x3c: {  	p2 =	seq.s32 s10, $0x1;
	s10 =	sld [smem:$0x3FBA]  }
0x3d: {  	_ =	shalt  }
0x3e: {  	_ =	shalt  }
0x3f: {  	_ =	shalt  }
0x40: {  	_ =	shalt  }
0x41: {  	_ =	shalt  }
0x42: {  	_ =	shalt  }
0x43: {  	_ =	shalt  }
0x44: {  	_ =	shalt  }
0x45: {  	_ =	shalt  }
0x46: {  	_ =	shalt  }
0x47: {  	_ =	shalt  }
0x48: {  	_ =	shalt  }
0x49: {  	_ =	shalt  }
0x4a: {  	_ =	shalt  }
0x4b: {  	_ =	shalt  }
0x4c: {  	_ =	shalt  }
0x4d: {  	_ =	shalt  }
0x4e: {  	_ =	shalt  }
0x4f: {  	_ =	shalt  }
0x50: {  	_ =	shalt  }
0x51: {  	_ =	shalt  }
0x52: {  	_ =	shalt  }
0x53: {  	_ =	shalt  }
0x54: {  	_ =	shalt  }
0x55: {  	_ =	shalt  }
0x56: {  	_ =	shalt  }
0x57: {  	_ =	shalt  }
0x58: {  	_ =	shalt  }
0x59: {  	_ =	shalt  }
0x5a: {  	_ =	shalt  }
0x5b: {  	_ =	shalt  }
0x5c: {  	_ =	shalt  }
0x5d: {  	_ =	shalt  }
0x5e: {  	_ =	shalt  }
0x5f: {  	_ =	shalt  }
0x60: {  	_ =	shalt  }
0x61: {  	_ =	shalt  }
0x62: {  	_ =	shalt  }
0x63: {  	_ =	shalt  }
0x64: {  	_ =	shalt  }
0x65: {  	_ =	shalt  }
0x66: {  	_ =	shalt  }
0x67: {  	_ =	shalt  }
0x68: {  	_ =	shalt  }
0x69: {  	_ =	shalt  }
0x6a: {  	_ =	shalt  }
0x6b: {  	_ =	shalt  }
0x6c: {  	_ =	shalt  }
0x6d: {  	_ =	shalt  }
0x6e: {  	_ =	shalt  }
0x6f: {  	_ =	shalt  }
0x70: {  	_ =	shalt  }
0x71: {  	_ =	shalt  }
0x72: {  	_ =	shalt  }
0x73: {  	_ =	shalt  }
0x74: {  	_ =	shalt  }
0x75: {  	_ =	shalt  }
0x76: {  	_ =	shalt  }
0x77: {  	_ =	shalt  }
0x78: {  	_ =	shalt  }
0x79: {  	_ =	shalt  }
0x7a: {  	_ =	shalt  }
0x7b: {  	_ =	shalt  }
0x7c: {  	_ =	shalt  }
0x7d: {  	_ =	shalt  }
0x7e: {  	_ =	shalt  }
0x7f: {  	_ =	shalt  }
0x80: {  	_ =	shalt  }
0x81: {  	_ =	shalt  }
0x82: {  	_ =	shalt  }
0x83: {  	_ =	shalt  }
0x84: {  	_ =	shalt  }
0x85: {  	_ =	shalt  }
0x86: {  	_ =	shalt  }
0x87: {  	_ =	shalt  }
.Lfunc_end0:
.L_simem_size_0:
called_computation_lowered:
.L_overlay_start_0:
0x88: {  	s0 =	sld [smem:$0x3FD9]  }
0x89: {  	s1 =	sld [smem:$0x3FFE];
	_ =	sdelay $0x3  }
0x8a: {  	s0 =	sadd.s32 s1, s0  }
0x8b: {  	[smem:$0x3FC6] =	sst s0  }
0x8c: {  	_ = 	snop  }
0x8d: {  	(tm) =	ssettm $0x1  }
0x8e: {  	s15 =	sld [smem:$0x3FFB];
	_ =	sdelay $0x3  }
0x8f: {  	_ =	strace s15  }
0x90: {  	s0 =	sld [smem:$0x3FFC];
	_ =	sdelay $0x3  }
0x91: {  	_ =	strace s0  }
0x92: {  	s0 =	sld [smem:$0x3FFD];
	_ =	sdelay $0x3  }
0x93: {  	_ =	strace s0  }
0x94: {  	_ =	strace $0x8FFFFFFF  }
0x95: {  	s16 =	sld [smem:$0x3FDB];
	_ =	sdelay $0x1  }
0x96: {  	s17 =	simm.s32 $_scs_section_size  }
0x97: {  	s2 =	simm.s32 $_size__tile_overlayer_lowered;
	s3 =	simm.s32 $_tile_overlayer_lowered  }
0x98: {  	s20 =	simm.s32 $0x1BFF;
	s19 =	sshll.u32 s3, $0x1;
	s0 =	sadd.s32 s17, s16  }
0x99: {  	s4 =	simm.s32 $0x0;
	s18 =	sshll.u32 s2, $0x1;
	s2 =	sadd.s32 s19, s0  }
0x9a: {  	[timem:s4], [sflag:s20] =	dma.local [hbm:s2], s18  }
0x9b: {  	_ =	swait.ge [sflag:s20], s18  }
0x9c: {  	s1 =	ssub.s32 $0x0, s18;
	[sflag:s20] =	ssyncset.done $0x0  }
0x9d: {  	[sflag:s20] =	ssyncadd.s32 s1;
	_ =	sdelay $0x1  }
0x9e: {  	s21 =	simm.s32 $0x1B8B  }
0x9f: {  	_ =	swait.ge [sflag:s21], $0x1  }
0xa0: {  	[sflag:s21] =	ssyncset.done $0x0  }
0xa1: {  	s23 =	simm.s32 $0x1B8E;
	s22 =	sld [smem:$0x3FFE];
	[sflag:s21] =	ssyncadd.s32 $0xFFFFFFFF  }
0xa2: {  	s24 =	simm.s32 $execute0_lowered;
	[smem:$0x3FD2] =	sst s23  }
0xa3: {  	s2 =	sshll.u32 s24, $0x1;
	_ =	strace $0x80000046;
	[dreg:$0x1] =	wrdreg $0xFFFFFFFF  }
0xa4: {  	s25 =	simm.s32 $_size_execute0_lowered;
	s0 =	sadd.s32 s0, s2;
	[dreg:$0x0] =	wrdreg $0x0  }
0xa5: {  	s2 =	sshll.u32 s25, $0x1;
	[dreg:$0x2] =	wrdreg s0  }
0xa6: {  	[dreg:$0x3] =	wrdreg s2  }
0xa7: {  	[dreg:$0x4] =	wrdreg $0xC0  }
0xa8: {  	_ =	task [dreg:s4], $0x5FFFF  }
0xa9: {  	[dreg:$0x1] =	wrdreg $0xFFFFFFFF  }
0xaa: {  	[dreg:$0x0] =	wrdreg $0x60  }
0xab: {  	[dreg:$0x2] =	wrdreg s22  }
0xac: {  	[dreg:$0x3] =	wrdreg $0x9  }
0xad: {  	_ =	task.clear_ibuf [dreg:s4], $0x4FFFF;
	_ =	strace $0x90000046  }
0xae: {  	s26 =	simm.s32 $0x9;
	_ =	strace $0x80000048  }
0xaf: {  	_ =	swait.ge [sflag:s26], $0x1  }
0xb0: {  	[sflag:s26] =	ssyncadd.s32 $0xFFFFFFFF  }
0xb1: {  	_ =	strace $0x90000048  }
0xb2: {  	_ =	sfence  }
0xb3: {  	s28 =	sld [smem:$0x0];
	_ =	sdelay $0x1  }
0xb4: {  	s29 =	srdreg.scid  }
0xb5: {  	s30 =	sshll.u32 s29, $0xD;
	s31 =	sshrl.u32 s29, $0x2  }
0xb6: {  	s1 =	sand.u32 $0x1, s29;
	s2 =	sand.u32 $0x4000, s30;
	s0 =	sadd.s32 s31, s28  }
0xb7: {  	s1 =	sor.u32 s2, s1;
	s0 =	sshll.u32 s0, $0x11  }
0xb8: {  	s0 =	sor.u32 s0, s1  }
0xb9: {  	s0 =	sadd.s32 $0x8F2B, s0  }
0xba: {  	[sflag:s0] =	ssyncadd.remote.s32 $0x1  }
0xbb: {  	_ =	sfence.sel $0xFFFF  }
0xbc: {  	[dreg:$0x0] =	wrdreg $0xFFFFFFFF;
	(pc) =	sbr.abs _section_cstart, $3  }
0xbd: {  	[dreg:$0x1] =	wrdreg $0xFFFFFFFF  }
0xbe: {  	_ =	task.clear_ibuf [dreg:s4], $0x2FFFF;
	_ =	strace $0x9FFFFFFF  }
0xbf: {  	(tm) =	ssettm $0x7FFFFFFF  }
tec
execute0_lowered:
.L_overlay_start_1:
0x0: {  	(tag) =	ssettag $0x1  }
0x1: {  	s2 =	rddreg [dreg:$0x0]  }
0x2: {  	s0 =	rddreg [dreg:$0x1];
	_ =	strace $0x80000047;
	s3 =	stileid.u32  }
0x3: {  	s4 =	simm.s32 $0x3E;
	s1 =	sadd.s32 $0x1800, s2;
	p0 =	sne.s32 s3, $0x0  }
0x4: {  	[sflag:s4] =	ssyncpa.u1 $0x0;
	s5 =	simm.s32 @!p0 $0x1C3E;
	s6 =	simm.s32 @!p0 $0x0  }
0x5: {  	[spmem:s6], [sflag:s5] =	dma.local @!p0 [hbm:s1], $0x400  }
0x6: {  	s5 =	simm.s32 @!p0 $0x3E  }
0x7: {  	_ =	swait.ge @!p0 [sflag:s5], $0x400  }
0x8: {  	[sflag:s5] =	ssyncset.done @!p0 $0x0  }
0x9: {  	s26 =	simm.s32 $0x1;
	[sflag:s5] =	ssyncadd.s32 @!p0 $0xFFFFFC00  }
0xa: {  	s28 =	simm.s32 $0x2;
	s7 =	simm.s32 $0x680;
	[bflag:$0x0] =	sbarrier.arrive $0xFFFF  }
0xb: {  	s3 =	smul.u32 $0x90, s3;
	s29 =	sadd.s32 $0x400, s2;
	[sflag:s4] =	ssyncpa.u1 $0x1  }
0xc: {  	s30 =	sadd.s32 $0xE00, s2;
	s2 =	simm.s32 $0x0;
	[sflag:s26] =	ssyncpa.u1 $0x0  }
0xd: {  	s5 =	sadd.s32 s29, s3;
	(ifvalue) =	ssetifvalue $0x2000;
	[sflag:s28] =	ssyncpa.u1 $0x0  }
0xe: {  	[tilespmem:s7], [sflag:$0x2] =	stream.linear.gather [hbm4b:s5+s2], $0x480, $0x38;
	[tilespmem:$0x1400] =	vst v63  }
0xf: {  	s31 =	sadd.s32 s30, s3;
	s3 =	simm.s32 $0xF80  }
0x10: {  	[tilespmem:s3], [sflag:$0x2] =	stream.linear.gather [hbm4b:s31+s2], $0x480, $0x38;
	[tilespmem:$0x1400] =	vst v63  }
0x11: {  	_ =	swait.ge [sflag:s28], $0x900  }
0x12: {  	[sflag:s28] =	ssyncset.done $0x0  }
0x13: {  	[sflag:s28] =	ssyncadd.s32 $0xFFFFF700  }
0x14: {  	v0 =	vld.msk [tilespmem:s7+$0x0 ss:$0x1], $0xffff;
	_ =	sdelay $0x4  }
0x15: {  	v0 =	vmin.u32 v0, $0x2000;
	_ =	sdelay $0x3  }
0x16: {  	vm0 =	vmmov $0xffff;
	s4 =	simm.s32 $0x0;
	s5 =	simm.s32 $0x690  }
0x17: {  	[spmem:s2] =	stream.indirect_vreg.scatter.add.s32 [tilespmem:s3], [sflag:$0x1], $0x1, v0, vm0, $0x4038;
	[tilespmem:$0x1400] =	vst v63  }
.LBB2_1:
0x18: {  	v0 =	vld.msk [tilespmem:s5+$0x0 ss:$0x1], $0xffff;
	s4 =	sadd.s32 $0x10, s4  }
0x19: {  	p1 =	slt.u32 s4, $0x470;
	_ =	sdelay $0x4  }
0x1a: {  	v0 =	vmin.u32 v0, $0x2000  }
.Ltmp0:
0x1b: {  	(pc) =	sbr.rel @p1 .LBB2_1-.Ltmp0, $3  }
0x1c: {  	_ =	sdelay $0x1  }
0x1d: {  	s5 =	sadd.s32 $0x10, s5;
	s3 =	sadd.s32 $0x10, s3  }
0x1e: {  	[spmem:s2] =	stream.indirect_vreg.scatter.add.s32 [tilespmem:s3], [sflag:$0x1], $0x1, v0, vm0, $0x4038;
	[tilespmem:$0x1400] =	vst v63  }
0x1f: {  	s2 =	simm.s32 $0x1  }
0x20: {  	_ =	swait.ge [sflag:s2], $0x480  }
0x21: {  	[sflag:s2] =	ssyncset.done $0x0  }
0x22: {  	[sflag:s2] =	ssyncadd.s32 $0xFFFFFB80  }
0x23: {  	_ =	sfence.sel $0x180000  }
0x24: {  	s3 =	simm.s32 $0x2;
	[bflag:$0x0] =	sbarrier.arrive $0xFFFF  }
0x25: {  	[sflag:s3] =	ssyncpa.u1 $0x1  }
0x26: {  	[sflag:s2] =	ssyncpa.u1 $0x1  }
0x27: {  	_ =	sfence.stream.spmem  }
0x28: {  	s31 =	simm.s32 $0x3D;
	[bflag:$0x0] =	sbarrier.arrive $0xFFFF  }
0x29: {  	s2 =	simm.s32 @p0 $0x3D;
	[sflag:s31] =	ssyncpa.u1 $0x0  }
0x2a: {  	[sflag:s2] =	ssyncpa.u1 @p0 $0x1  }
0x2b: {  	[bflag:$0x0] =	sbarrier.arrive @p0 $0xFFFF  }
0x2c: {  	_ =	strace @p0 $0x90000047  }
0x2d: {  	s3 =	simm.s32 @!p0 $0x1C3D;
	s2 =	simm.s32 @!p0 $0x0;
	[bflag:$0x2] =	sbarrier.arrive @p0 $0xFFFF  }
0x2e: {  	[hbm:s1], [sflag:s3] =	dma.local @!p0 [spmem:s2], $0x400  }
0x2f: {  	s1 =	simm.s32 @!p0 $0x3D  }
0x30: {  	_ =	swait.ge @!p0 [sflag:s1], $0x400  }
0x31: {  	[sflag:s1] =	ssyncset.done @!p0 $0x0  }
0x32: {  	[sflag:s1] =	ssyncadd.s32 @!p0 $0xFFFFFC00  }
0x33: {  	[sflag:s1] =	ssyncpa.u1 @!p0 $0x1  }
0x34: {  	[bflag:$0x0] =	sbarrier.arrive @!p0 $0xFFFF  }
0x35: {  	_ =	strace @!p0 $0x90000047  }
0x36: {  	s0 =	sadd.s32 @!p0 $0x100000, s0;
	[bflag:$0x2] =	sbarrier.arrive @!p0 $0xFFFF  }
0x37: {  	[sflag:s0] =	ssyncadd.tile.s32 @!p0 $0x1;
	_ =	shalt  }
.Lfunc_end2:
_tile_overlayer_lowered:
.L_overlay_start_2:
0x38: {  	(tag) =	ssettag $0x2  }
0x39: {  	s0 =	rddreg [dreg:$0x0];
	s2 =	stileid.u32  }
0x3a: {  	s1 =	rddreg [dreg:$0x1];
	p0 =	sne.s32 s2, $0x0  }
0x3b: {  	s3 =	rddreg [dreg:$0x2];
	[bflag:$0x3] =	sbarrier.arrive $0xFFFF;
	s2 =	simm.s32 @!p0 $0x1C01  }
0x3c: {  	[timem:s3], [sflag:s2] =	dma.local @!p0 [hbm:s0], s1  }
0x3d: {  	s0 =	simm.s32 @!p0 $0x1  }
0x3e: {  	_ =	swait.ge @!p0 [sflag:s0], s1  }
0x3f: {  	s1 =	ssub.s32 @!p0 $0x0, s1;
	[sflag:s0] =	ssyncset.done @!p0 $0x0  }
0x40: {  	[sflag:s0] =	ssyncadd.s32 @!p0 s1  }
0x41: {  	[bflag:$0x3] =	sbarrier.arrive $0xFFFF  }
0x42: {  	_ =	shalt  }

</sc_bundles>
